<compile_context>
chip_gen: v7x
topology: tpu7x:2x2x1
jax: 0.10.2.dev20260603
libtpu: 0.0.44.dev20260713+nightly
codegen_flags: <defaults>
</compile_context>

<pallas_src>
import functools

import numpy as np
import jax
import jax.numpy as jnp
from jax import lax
from jax.experimental import pallas as pl
from jax.experimental.pallas import tpu as pltpu
from jax.experimental.pallas import tpu_sc as plsc

_TARGET = 0

N_ROWS = 1_000_000
ROW = 8
L = 16
NC, NS = 2, 16
NW = NC * NS
LANE = 128

_CLS, _SCORE = 0, ROW - 1
_ROWS_CONST = np.array([_CLS, _SCORE], dtype=np.int32)

TILES_PER_W = 112
SC_LANES = TILES_PER_W * NW * LANE
CHUNK_LANES = TILES_PER_W * LANE
GROUPS = CHUNK_LANES // L

TC_BLOCK = 32768
TC_START_BLK = SC_LANES // TC_BLOCK
TC_LANES = N_ROWS - SC_LANES
TC_STEPS = -(-TC_LANES // TC_BLOCK)
TC_LAST_VALID = TC_LANES - (TC_STEPS - 1) * TC_BLOCK
ACC_W = 2048


def _sc_partials_body(xt_hbm, rows_hbm, out_hbm, idx_ref, buf, acc_ref, sem):
    cid = lax.axis_index("c")
    sid = lax.axis_index("s")
    wid = sid * NC + cid

    base = pl.multiple_of(wid * CHUNK_LANES, LANE)
    pltpu.sync_copy(rows_hbm, idx_ref)
    cp = pltpu.async_copy(
        xt_hbm.at[idx_ref, pl.ds(base, CHUNK_LANES)], buf, sem
    )
    cp.wait()

    def group_body(g, acc):
        cls = buf[0, pl.ds(g * L, L)]
        sc = buf[1, pl.ds(g * L, L)]
        keep = cls.astype(jnp.int32) == _TARGET
        return acc + jnp.where(keep, sc, 0.0)

    acc = plsc.parallel_loop(
        0, GROUPS, unroll=4, carry=jnp.zeros((L,), jnp.float32)
    )(group_body)
    acc_ref[...] = acc
    pltpu.sync_copy(acc_ref, out_hbm.at[wid])


_sc_partials = pl.kernel(
    _sc_partials_body,
    out_type=jax.ShapeDtypeStruct((NW, L), jnp.float32),
    mesh=plsc.VectorSubcoreMesh(
        core_axis_name="c", subcore_axis_name="s", num_cores=NC, num_subcores=NS
    ),
    compiler_params=pltpu.CompilerParams(
        needs_layout_passes=False, use_tc_tiling_on_sc=True
    ),
    scratch_types=[
        pltpu.VMEM((2,), jnp.int32),
        pltpu.VMEM((2, CHUNK_LANES), jnp.float32),
        pltpu.VMEM((L,), jnp.float32),
        pltpu.SemaphoreType.DMA,
    ],
)


def _fold(p):
    parts = [p[:, j * ACC_W : (j + 1) * ACC_W] for j in range(TC_BLOCK // ACC_W)]
    while len(parts) > 1:
        parts = [
            parts[k] + parts[k + 1] for k in range(0, len(parts) - 1, 2)
        ] + ([parts[-1]] if len(parts) % 2 else [])
    return parts[0]


def _tc_reduce_body(x_ref, o_ref, acc_ref):
    i = pl.program_id(0)

    @pl.when(i == 0)
    def _():
        acc_ref[...] = jnp.zeros_like(acc_ref)

    cls = x_ref[_CLS : _CLS + 1, :]
    sc = x_ref[_SCORE : _SCORE + 1, :]
    p = jnp.where(cls.astype(jnp.int32) == _TARGET, sc, 0.0)

    @pl.when(i < TC_STEPS - 1)
    def _():
        acc_ref[...] += _fold(p)

    @pl.when(i == TC_STEPS - 1)
    def _():
        lanes = lax.broadcasted_iota(jnp.int32, (1, TC_BLOCK), 1)
        acc_ref[...] += _fold(jnp.where(lanes < TC_LAST_VALID, p, 0.0))
        o_ref[0, 0] = jnp.sum(acc_ref[...])


_tc_reduce = pl.pallas_call(
    _tc_reduce_body,
    out_shape=jax.ShapeDtypeStruct((1, 1), jnp.float32),
    grid=(TC_STEPS,),
    in_specs=[
        pl.BlockSpec((ROW, TC_BLOCK), lambda i: (0, TC_START_BLK + i)),
    ],
    out_specs=pl.BlockSpec((1, 1), lambda i: (0, 0), memory_space=pltpu.SMEM),
    scratch_shapes=[pltpu.VMEM((1, ACC_W), jnp.float32)],
)


def _finish_body(p_ref, t_ref, o_ref):
    o_ref[0, 0] = -(jnp.sum(p_ref[...]) + t_ref[0, 0])


_finish = pl.pallas_call(
    _finish_body,
    out_shape=jax.ShapeDtypeStruct((1, 1), jnp.float32),
    in_specs=[
        pl.BlockSpec(memory_space=pltpu.VMEM),
        pl.BlockSpec(memory_space=pltpu.SMEM),
    ],
    out_specs=pl.BlockSpec(memory_space=pltpu.SMEM),
)


@jax.jit
def kernel(box3d_branch):
    xt = box3d_branch.T
    partials = _sc_partials(xt, _ROWS_CONST)
    tc_part = _tc_reduce(xt)
    return _finish(partials, tc_part)[0, 0]

# --- scband reference (transcript-rebuilt; emitter-appended) ---
"""Pipeline reference for scband-loss-39324720562357 (READ-ONLY COPY).

The authoritative reference and input builder live on the scoring server;
editing this copy changes nothing except your own understanding.
"""

import jax, jax.numpy as jnp
import numpy as np

TARGET = 0  # 'CAR'

def setup_inputs(seed: int = 0) -> dict:
    key = jax.random.key(seed)
    box3d_branch = jax.random.uniform(key, (1000000, 8), dtype=jnp.float32)
    return {"box3d_branch": box3d_branch}

def reference(box3d_branch):
    # loss type == 'class': select rows whose class column (col 0, truncated to int)
    # equals the target class, then return negative sum of their scores (last column).
    cls = box3d_branch[:, 0].astype(jnp.int32)
    mask = (cls == TARGET).astype(box3d_branch.dtype)
    scores = box3d_branch[:, -1]
    loss = -jnp.sum(scores * mask)
    return loss

if __name__ == "__main__":
    import jax
    _d = setup_inputs()
    print(jax.jit(kernel)(*tuple(_d.values())))

</pallas_src>

<mosaic_0001>
#map = affine_map<(d0, d1) -> (0, 0)>
#map1 = affine_map<(d0, d1) -> (0)>
module attributes {stable_mosaic.version = 14 : i64} {
  func.func @_sc_partials_body(%arg0: i32, %arg1: i32, %arg2: memref<8x1000000xf32, #tpu.memory_space<hbm>>, %arg3: memref<2xi32, #tpu.memory_space<hbm>>, %arg4: memref<32x16xf32, #tpu.memory_space<hbm>>, %arg5: memref<2xi32, #tpu.memory_space<vmem>>, %arg6: memref<2x14336xf32, #tpu.memory_space<vmem>>, %arg7: memref<16xf32, #tpu.memory_space<vmem>>, %arg8: memref<!tpu.dma_semaphore, #tpu.memory_space<semaphore_mem>>) attributes {dimension_semantics = [#tpu.dimension_semantics<core_parallel>, #tpu.dimension_semantics<subcore_parallel>], iteration_bounds = array<i64: 2, 16>, scalar_prefetch = 0 : i64, scratch_operands = 4 : i64, tpu.core_type = #tpu.core_type<sc_vector_subcore>, window_params = [{transform_indices = #map}, {transform_indices = #map1}, {transform_indices = #map}]} {
    %mul3A = arith.constant 2 : i32
    %mul3A_0 = arith.muli %arg1, %mul3A : i32
    %add3A = arith.addi %mul3A_0, %arg0 : i32
    %mul3A_1 = arith.constant 14336 : i32
    %mul3A_2 = arith.muli %add3A, %mul3A_1 : i32
    %multiple_of3A = tpu.assume_multiple %mul3A_2, 128 : i32
    "tpu.region"() ({
      %run_scoped3A = tpu.sem_alloc : memref<!tpu.dma_semaphore, #tpu.memory_space<semaphore_mem>>
      tpu.enqueue_dma source(%arg3 : memref<2xi32, #tpu.memory_space<hbm>>) target(%arg5 : memref<2xi32, #tpu.memory_space<vmem>>) target_semaphore(%run_scoped3A : memref<!tpu.dma_semaphore, #tpu.memory_space<semaphore_mem>>)
      tpu.wait_dma2 semaphore(%run_scoped3A : memref<!tpu.dma_semaphore, #tpu.memory_space<semaphore_mem>>) src(%arg3 : memref<2xi32, #tpu.memory_space<hbm>>) dst(%arg5 : memref<2xi32, #tpu.memory_space<vmem>>)
      tpu.yield
    }) : () -> ()
    %dma_start3A = arith.constant 0 : i32
    %dma_start3A_3 = tpu.memref_slice %arg2[%dma_start3A, %multiple_of3A] : memref<8x1000000xf32, #tpu.memory_space<hbm>> -> memref<8x14336xf32, #tpu.memory_space<hbm>>
    tpu.enqueue_indirect_dma source(%dma_start3A_3 : memref<8x14336xf32, #tpu.memory_space<hbm>>) target(%arg6 : memref<2x14336xf32, #tpu.memory_space<vmem>>) offsets(%arg5 : memref<2xi32, #tpu.memory_space<vmem>>) semaphore(%arg8 : memref<!tpu.dma_semaphore, #tpu.memory_space<semaphore_mem>>)
    %dma_wait3A = arith.constant 0 : i32
    %dma_wait3A_4 = tpu.memref_slice %arg2[%dma_wait3A, %multiple_of3A] : memref<8x1000000xf32, #tpu.memory_space<hbm>> -> memref<8x14336xf32, #tpu.memory_space<hbm>>
    tpu.wait_indirect_dma semaphore(%arg8 : memref<!tpu.dma_semaphore, #tpu.memory_space<semaphore_mem>>) src(%dma_wait3A_4 : memref<8x14336xf32, #tpu.memory_space<hbm>>) dst(%arg6 : memref<2x14336xf32, #tpu.memory_space<vmem>>)
    %broadcast_in_dim3A = arith.constant 0.000000e+00 : f32
    %broadcast_in_dim3A_5 = vector.broadcast %broadcast_in_dim3A : f32 to vector<16xf32>
    %parallel_loop3A = arith.constant 0 : i32
    %parallel_loop3A_6 = arith.constant 896 : i32
    %parallel_loop3A_7 = arith.constant 1 : i32
    %parallel_loop3A_8 = scf.for %parallel_loop3A_10 = %parallel_loop3A to %parallel_loop3A_6 step %parallel_loop3A_7 iter_args(%parallel_loop3A_11 = %broadcast_in_dim3A_5) -> (vector<16xf32>)  : i32 {
      %parallel_loop3A_12 = arith.constant 16 : i32
      %parallel_loop3A_13 = arith.muli %parallel_loop3A_10, %parallel_loop3A_12 : i32
      %parallel_loop3A_14 = arith.constant 0 : i32
      %parallel_loop3A_15 = arith.index_cast %parallel_loop3A_14 : i32 to index
      %parallel_loop3A_16 = arith.index_cast %parallel_loop3A_13 : i32 to index
      %parallel_loop3A_17 = tpu.vector_load %arg6[%parallel_loop3A_15, %parallel_loop3A_16] {strides = array<i32>} : memref<2x14336xf32, #tpu.memory_space<vmem>>, vector<16xf32>,
      %parallel_loop3A_18 = arith.constant 16 : i32
      %parallel_loop3A_19 = arith.muli %parallel_loop3A_10, %parallel_loop3A_18 : i32
      %parallel_loop3A_20 = arith.constant 1 : i32
      %parallel_loop3A_21 = arith.index_cast %parallel_loop3A_20 : i32 to index
      %parallel_loop3A_22 = arith.index_cast %parallel_loop3A_19 : i32 to index
      %parallel_loop3A_23 = tpu.vector_load %arg6[%parallel_loop3A_21, %parallel_loop3A_22] {strides = array<i32>} : memref<2x14336xf32, #tpu.memory_space<vmem>>, vector<16xf32>,
      %parallel_loop3A_24 = arith.fptosi %parallel_loop3A_17 : vector<16xf32> to vector<16xi32>
      %parallel_loop3A_25 = arith.constant 0 : i32
      %parallel_loop3A_26 = vector.broadcast %parallel_loop3A_25 : i32 to vector<16xi32>
      %parallel_loop3A_27 = arith.cmpi eq, %parallel_loop3A_24, %parallel_loop3A_26 : vector<16xi32>
      %parallel_loop3A_28 = arith.constant 0.000000e+00 : f32
      %parallel_loop3A_29 = vector.broadcast %parallel_loop3A_28 : f32 to vector<16xf32>
      %parallel_loop3A_30 = arith.select %parallel_loop3A_27, %parallel_loop3A_23, %parallel_loop3A_29 : vector<16xi1>, vector<16xf32>
      %parallel_loop3A_31 = arith.addf %parallel_loop3A_11, %parallel_loop3A_30 : vector<16xf32>
      scf.yield %parallel_loop3A_31 : vector<16xf32>
    } {sc.loop_unroll_factor = 4 : i64, sc.parallel_access}
    %swap3A = arith.constant 0 : index
    %swap3A_9 = tpu.vector_load %arg7[%swap3A] {strides = array<i32>} : memref<16xf32, #tpu.memory_space<vmem>>, vector<16xf32>,
    tpu.vector_store %arg7[%swap3A], %parallel_loop3A_8 {strides = array<i32>} : memref<16xf32, #tpu.memory_space<vmem>>, vector<16xf32>,
    "tpu.region"() ({
      %run_scoped3A = tpu.sem_alloc : memref<!tpu.dma_semaphore, #tpu.memory_space<semaphore_mem>>
      %dma_start3A_10 = arith.constant 0 : i32
      %dma_start3A_11 = tpu.memref_slice %arg4[%add3A, %dma_start3A_10] : memref<32x16xf32, #tpu.memory_space<hbm>> -> memref<1x16xf32, #tpu.memory_space<hbm>>
      %dma_start3A_12 = tpu.memref_squeeze %dma_start3A_11 : memref<1x16xf32, #tpu.memory_space<hbm>> -> memref<16xf32, #tpu.memory_space<hbm>>
      %dma_start3A_13 = arith.constant 0 : i32
      %dma_start3A_14 = tpu.memref_slice %arg4[%add3A, %dma_start3A_13] : memref<32x16xf32, #tpu.memory_space<hbm>> -> memref<1x16xf32, #tpu.memory_space<hbm>>
      %dma_start3A_15 = tpu.memref_squeeze %dma_start3A_14 : memref<1x16xf32, #tpu.memory_space<hbm>> -> memref<16xf32, #tpu.memory_space<hbm>>
      tpu.enqueue_dma source(%arg7 : memref<16xf32, #tpu.memory_space<vmem>>) target(%dma_start3A_15 : memref<16xf32, #tpu.memory_space<hbm>>) target_semaphore(%run_scoped3A : memref<!tpu.dma_semaphore, #tpu.memory_space<semaphore_mem>>)
      %dma_wait3A_16 = arith.constant 0 : i32
      %dma_wait3A_17 = tpu.memref_slice %arg4[%add3A, %dma_wait3A_16] : memref<32x16xf32, #tpu.memory_space<hbm>> -> memref<1x16xf32, #tpu.memory_space<hbm>>
      %dma_wait3A_18 = tpu.memref_squeeze %dma_wait3A_17 : memref<1x16xf32, #tpu.memory_space<hbm>> -> memref<16xf32, #tpu.memory_space<hbm>>
      %dma_wait3A_19 = arith.constant 0 : i32
      %dma_wait3A_20 = tpu.memref_slice %arg4[%add3A, %dma_wait3A_19] : memref<32x16xf32, #tpu.memory_space<hbm>> -> memref<1x16xf32, #tpu.memory_space<hbm>>
      %dma_wait3A_21 = tpu.memref_squeeze %dma_wait3A_20 : memref<1x16xf32, #tpu.memory_space<hbm>> -> memref<16xf32, #tpu.memory_space<hbm>>
      tpu.wait_dma2 semaphore(%run_scoped3A : memref<!tpu.dma_semaphore, #tpu.memory_space<semaphore_mem>>) src(%arg7 : memref<16xf32, #tpu.memory_space<vmem>>) dst(%dma_wait3A_21 : memref<16xf32, #tpu.memory_space<hbm>>)
      tpu.yield
    }) : () -> ()
    return
  }
}

module attributes {stable_mosaic.version = 14 : i64} {
  func.func @_tc_reduce_body(%arg0: i32, %arg1: memref<8x32768xf32, #tpu.memory_space<vmem>>, %arg2: memref<1x1xf32, #tpu.memory_space<smem>>, %arg3: memref<1x2048xf32, #tpu.memory_space<vmem>>) attributes {dimension_semantics = [#tpu.dimension_semantics<arbitrary>], iteration_bounds = array<i64: 17>, scalar_prefetch = 0 : i64, scratch_operands = 1 : i64, tpu.core_type = #tpu.core_type<tc>, window_params = [{transform_indices = @transform_0, window_bounds = array<i64: 8, 32768>}, {transform_indices = @transform_1, window_bounds = array<i64: 1, 1>}]} {
    %eq3A = arith.constant 0 : i32
    %eq3A_0 = arith.cmpi eq, %arg0, %eq3A : i32
    %convert_element_type3A = arith.extui %eq3A_0 : i1 to i32
    %cond3A = arith.constant 0 : i32
    %cond3A_1 = arith.cmpi ne, %convert_element_type3A, %cond3A : i32
    scf.if %cond3A_1 {
      %broadcast_in_dim3A_20 = arith.constant 0.000000e+00 : f32
      %broadcast_in_dim3A_21 = vector.broadcast %broadcast_in_dim3A_20 : f32 to vector<1x2048xf32>
      %swap3A = arith.constant 0 : index
      %swap3A_22 = arith.constant 0 : index
      %swap3A_23 = vector.load %arg3[%swap3A, %swap3A_22] : memref<1x2048xf32, #tpu.memory_space<vmem>>, vector<1x2048xf32>
      tpu.vector_store %arg3[%swap3A, %swap3A_22], %broadcast_in_dim3A_21 {strides = array<i32>} : memref<1x2048xf32, #tpu.memory_space<vmem>>, vector<1x2048xf32>,
    } else {
    }
    %get3A = arith.constant 0 : index
    %get3A_2 = arith.constant 0 : index
    %get3A_3 = vector.load %arg1[%get3A, %get3A_2] : memref<8x32768xf32, #tpu.memory_space<vmem>>, vector<1x32768xf32>
    %get3A_4 = arith.constant 7 : index
    %get3A_5 = arith.constant 0 : index
    %get3A_6 = vector.load %arg1[%get3A_4, %get3A_5] : memref<8x32768xf32, #tpu.memory_space<vmem>>, vector<1x32768xf32>
    %convert_element_type3A_7 = arith.fptosi %get3A_3 : vector<1x32768xf32> to vector<1x32768xi32>
    %eq3A_8 = arith.constant 0 : i32
    %eq3A_9 = vector.broadcast %eq3A_8 : i32 to vector<1x32768xi32>
    %eq3A_10 = arith.cmpi eq, %convert_element_type3A_7, %eq3A_9 : vector<1x32768xi32>
    %jit3A = arith.constant 0.000000e+00 : f32
    %broadcast_in_dim3A = vector.broadcast %jit3A : f32 to vector<1x32768xf32>
    %select_n3A = arith.select %eq3A_10, %get3A_6, %broadcast_in_dim3A : vector<1x32768xi1>, vector<1x32768xf32>
    %lt3A = arith.constant 16 : i32
    %lt3A_11 = arith.cmpi slt, %arg0, %lt3A : i32
    %convert_element_type3A_12 = arith.extui %lt3A_11 : i1 to i32
    %cond3A_13 = arith.constant 0 : i32
    %cond3A_14 = arith.cmpi ne, %convert_element_type3A_12, %cond3A_13 : i32
    scf.if %cond3A_14 {
      %get3A_20 = arith.constant 0 : index
      %get3A_21 = arith.constant 0 : index
      %get3A_22 = vector.load %arg3[%get3A_20, %get3A_21] : memref<1x2048xf32, #tpu.memory_space<vmem>>, vector<1x2048xf32>
      %slice3A = vector.extract_strided_slice %select_n3A {offsets = [0, 0], sizes = [1, 2048], strides = [1, 1]} : vector<1x32768xf32> to vector<1x2048xf32>
      %slice3A_23 = vector.extract_strided_slice %select_n3A {offsets = [0, 2048], sizes = [1, 2048], strides = [1, 1]} : vector<1x32768xf32> to vector<1x2048xf32>
      %slice3A_24 = vector.extract_strided_slice %select_n3A {offsets = [0, 4096], sizes = [1, 2048], strides = [1, 1]} : vector<1x32768xf32> to vector<1x2048xf32>
      %slice3A_25 = vector.extract_strided_slice %select_n3A {offsets = [0, 6144], sizes = [1, 2048], strides = [1, 1]} : vector<1x32768xf32> to vector<1x2048xf32>
      %slice3A_26 = vector.extract_strided_slice %select_n3A {offsets = [0, 8192], sizes = [1, 2048], strides = [1, 1]} : vector<1x32768xf32> to vector<1x2048xf32>
      %slice3A_27 = vector.extract_strided_slice %select_n3A {offsets = [0, 10240], sizes = [1, 2048], strides = [1, 1]} : vector<1x32768xf32> to vector<1x2048xf32>
      %slice3A_28 = vector.extract_strided_slice %select_n3A {offsets = [0, 12288], sizes = [1, 2048], strides = [1, 1]} : vector<1x32768xf32> to vector<1x2048xf32>
      %slice3A_29 = vector.extract_strided_slice %select_n3A {offsets = [0, 14336], sizes = [1, 2048], strides = [1, 1]} : vector<1x32768xf32> to vector<1x2048xf32>
      %slice3A_30 = vector.extract_strided_slice %select_n3A {offsets = [0, 16384], sizes = [1, 2048], strides = [1, 1]} : vector<1x32768xf32> to vector<1x2048xf32>
      %slice3A_31 = vector.extract_strided_slice %select_n3A {offsets = [0, 18432], sizes = [1, 2048], strides = [1, 1]} : vector<1x32768xf32> to vector<1x2048xf32>
      %slice3A_32 = vector.extract_strided_slice %select_n3A {offsets = [0, 20480], sizes = [1, 2048], strides = [1, 1]} : vector<1x32768xf32> to vector<1x2048xf32>
      %slice3A_33 = vector.extract_strided_slice %select_n3A {offsets = [0, 22528], sizes = [1, 2048], strides = [1, 1]} : vector<1x32768xf32> to vector<1x2048xf32>
      %slice3A_34 = vector.extract_strided_slice %select_n3A {offsets = [0, 24576], sizes = [1, 2048], strides = [1, 1]} : vector<1x32768xf32> to vector<1x2048xf32>
      %slice3A_35 = vector.extract_strided_slice %select_n3A {offsets = [0, 26624], sizes = [1, 2048], strides = [1, 1]} : vector<1x32768xf32> to vector<1x2048xf32>
      %slice3A_36 = vector.extract_strided_slice %select_n3A {offsets = [0, 28672], sizes = [1, 2048], strides = [1, 1]} : vector<1x32768xf32> to vector<1x2048xf32>
      %slice3A_37 = vector.extract_strided_slice %select_n3A {offsets = [0, 30720], sizes = [1, 2048], strides = [1, 1]} : vector<1x32768xf32> to vector<1x2048xf32>
      %add3A = arith.addf %slice3A, %slice3A_23 : vector<1x2048xf32>
      %add3A_38 = arith.addf %slice3A_24, %slice3A_25 : vector<1x2048xf32>
      %add3A_39 = arith.addf %slice3A_26, %slice3A_27 : vector<1x2048xf32>
      %add3A_40 = arith.addf %slice3A_28, %slice3A_29 : vector<1x2048xf32>
      %add3A_41 = arith.addf %slice3A_30, %slice3A_31 : vector<1x2048xf32>
      %add3A_42 = arith.addf %slice3A_32, %slice3A_33 : vector<1x2048xf32>
      %add3A_43 = arith.addf %slice3A_34, %slice3A_35 : vector<1x2048xf32>
      %add3A_44 = arith.addf %slice3A_36, %slice3A_37 : vector<1x2048xf32>
      %add3A_45 = arith.addf %add3A, %add3A_38 : vector<1x2048xf32>
      %add3A_46 = arith.addf %add3A_39, %add3A_40 : vector<1x2048xf32>
      %add3A_47 = arith.addf %add3A_41, %add3A_42 : vector<1x2048xf32>
      %add3A_48 = arith.addf %add3A_43, %add3A_44 : vector<1x2048xf32>
      %add3A_49 = arith.addf %add3A_45, %add3A_46 : vector<1x2048xf32>
      %add3A_50 = arith.addf %add3A_47, %add3A_48 : vector<1x2048xf32>
      %add3A_51 = arith.addf %add3A_49, %add3A_50 : vector<1x2048xf32>
      %add3A_52 = arith.addf %get3A_22, %add3A_51 : vector<1x2048xf32>
      %swap3A = arith.constant 0 : index
      %swap3A_53 = arith.constant 0 : index
      %swap3A_54 = vector.load %arg3[%swap3A, %swap3A_53] : memref<1x2048xf32, #tpu.memory_space<vmem>>, vector<1x2048xf32>
      tpu.vector_store %arg3[%swap3A, %swap3A_53], %add3A_52 {strides = array<i32>} : memref<1x2048xf32, #tpu.memory_space<vmem>>, vector<1x2048xf32>,
    } else {
    }
    %eq3A_15 = arith.constant 16 : i32
    %eq3A_16 = arith.cmpi eq, %arg0, %eq3A_15 : i32
    %convert_element_type3A_17 = arith.extui %eq3A_16 : i1 to i32
    %cond3A_18 = arith.constant 0 : i32
    %cond3A_19 = arith.cmpi ne, %convert_element_type3A_17, %cond3A_18 : i32
    scf.if %cond3A_19 {
      %iota3A = tpu.iota {dimensions = array<i32: 1>} : vector<1x32768xi32>
      %get3A_20 = arith.constant 0 : index
      %get3A_21 = arith.constant 0 : index
      %get3A_22 = vector.load %arg3[%get3A_20, %get3A_21] : memref<1x2048xf32, #tpu.memory_space<vmem>>, vector<1x2048xf32>
      %lt3A_23 = arith.constant 16960 : i32
      %lt3A_24 = vector.broadcast %lt3A_23 : i32 to vector<1x32768xi32>
      %lt3A_25 = arith.cmpi slt, %iota3A, %lt3A_24 : vector<1x32768xi32>
      %jit3A_26 = arith.constant 0.000000e+00 : f32
      %broadcast_in_dim3A_27 = vector.broadcast %jit3A_26 : f32 to vector<1x32768xf32>
      %select_n3A_28 = arith.select %lt3A_25, %select_n3A, %broadcast_in_dim3A_27 : vector<1x32768xi1>, vector<1x32768xf32>
      %slice3A = vector.extract_strided_slice %select_n3A_28 {offsets = [0, 0], sizes = [1, 2048], strides = [1, 1]} : vector<1x32768xf32> to vector<1x2048xf32>
      %slice3A_29 = vector.extract_strided_slice %select_n3A_28 {offsets = [0, 2048], sizes = [1, 2048], strides = [1, 1]} : vector<1x32768xf32> to vector<1x2048xf32>
      %slice3A_30 = vector.extract_strided_slice %select_n3A_28 {offsets = [0, 4096], sizes = [1, 2048], strides = [1, 1]} : vector<1x32768xf32> to vector<1x2048xf32>
      %slice3A_31 = vector.extract_strided_slice %select_n3A_28 {offsets = [0, 6144], sizes = [1, 2048], strides = [1, 1]} : vector<1x32768xf32> to vector<1x2048xf32>
      %slice3A_32 = vector.extract_strided_slice %select_n3A_28 {offsets = [0, 8192], sizes = [1, 2048], strides = [1, 1]} : vector<1x32768xf32> to vector<1x2048xf32>
      %slice3A_33 = vector.extract_strided_slice %select_n3A_28 {offsets = [0, 10240], sizes = [1, 2048], strides = [1, 1]} : vector<1x32768xf32> to vector<1x2048xf32>
      %slice3A_34 = vector.extract_strided_slice %select_n3A_28 {offsets = [0, 12288], sizes = [1, 2048], strides = [1, 1]} : vector<1x32768xf32> to vector<1x2048xf32>
      %slice3A_35 = vector.extract_strided_slice %select_n3A_28 {offsets = [0, 14336], sizes = [1, 2048], strides = [1, 1]} : vector<1x32768xf32> to vector<1x2048xf32>
      %slice3A_36 = vector.extract_strided_slice %select_n3A_28 {offsets = [0, 16384], sizes = [1, 2048], strides = [1, 1]} : vector<1x32768xf32> to vector<1x2048xf32>
      %slice3A_37 = vector.extract_strided_slice %select_n3A_28 {offsets = [0, 18432], sizes = [1, 2048], strides = [1, 1]} : vector<1x32768xf32> to vector<1x2048xf32>
      %slice3A_38 = vector.extract_strided_slice %select_n3A_28 {offsets = [0, 20480], sizes = [1, 2048], strides = [1, 1]} : vector<1x32768xf32> to vector<1x2048xf32>
      %slice3A_39 = vector.extract_strided_slice %select_n3A_28 {offsets = [0, 22528], sizes = [1, 2048], strides = [1, 1]} : vector<1x32768xf32> to vector<1x2048xf32>
      %slice3A_40 = vector.extract_strided_slice %select_n3A_28 {offsets = [0, 24576], sizes = [1, 2048], strides = [1, 1]} : vector<1x32768xf32> to vector<1x2048xf32>
      %slice3A_41 = vector.extract_strided_slice %select_n3A_28 {offsets = [0, 26624], sizes = [1, 2048], strides = [1, 1]} : vector<1x32768xf32> to vector<1x2048xf32>
      %slice3A_42 = vector.extract_strided_slice %select_n3A_28 {offsets = [0, 28672], sizes = [1, 2048], strides = [1, 1]} : vector<1x32768xf32> to vector<1x2048xf32>
      %slice3A_43 = vector.extract_strided_slice %select_n3A_28 {offsets = [0, 30720], sizes = [1, 2048], strides = [1, 1]} : vector<1x32768xf32> to vector<1x2048xf32>
      %add3A = arith.addf %slice3A, %slice3A_29 : vector<1x2048xf32>
      %add3A_44 = arith.addf %slice3A_30, %slice3A_31 : vector<1x2048xf32>
      %add3A_45 = arith.addf %slice3A_32, %slice3A_33 : vector<1x2048xf32>
      %add3A_46 = arith.addf %slice3A_34, %slice3A_35 : vector<1x2048xf32>
      %add3A_47 = arith.addf %slice3A_36, %slice3A_37 : vector<1x2048xf32>
      %add3A_48 = arith.addf %slice3A_38, %slice3A_39 : vector<1x2048xf32>
      %add3A_49 = arith.addf %slice3A_40, %slice3A_41 : vector<1x2048xf32>
      %add3A_50 = arith.addf %slice3A_42, %slice3A_43 : vector<1x2048xf32>
      %add3A_51 = arith.addf %add3A, %add3A_44 : vector<1x2048xf32>
      %add3A_52 = arith.addf %add3A_45, %add3A_46 : vector<1x2048xf32>
      %add3A_53 = arith.addf %add3A_47, %add3A_48 : vector<1x2048xf32>
      %add3A_54 = arith.addf %add3A_49, %add3A_50 : vector<1x2048xf32>
      %add3A_55 = arith.addf %add3A_51, %add3A_52 : vector<1x2048xf32>
      %add3A_56 = arith.addf %add3A_53, %add3A_54 : vector<1x2048xf32>
      %add3A_57 = arith.addf %add3A_55, %add3A_56 : vector<1x2048xf32>
      %add3A_58 = arith.addf %get3A_22, %add3A_57 : vector<1x2048xf32>
      %swap3A = arith.constant 0 : index
      %swap3A_59 = arith.constant 0 : index
      %swap3A_60 = vector.load %arg3[%swap3A, %swap3A_59] : memref<1x2048xf32, #tpu.memory_space<vmem>>, vector<1x2048xf32>
      tpu.vector_store %arg3[%swap3A, %swap3A_59], %add3A_58 {strides = array<i32>} : memref<1x2048xf32, #tpu.memory_space<vmem>>, vector<1x2048xf32>,
      %get3A_61 = arith.constant 0 : index
      %get3A_62 = arith.constant 0 : index
      %get3A_63 = vector.load %arg3[%get3A_61, %get3A_62] : memref<1x2048xf32, #tpu.memory_space<vmem>>, vector<1x2048xf32>
      %reduce_sum3A = vector.shape_cast %get3A_63 : vector<1x2048xf32> to vector<1x1x2048xf32>
      %reduce_sum3A_64 = arith.constant dense<0.000000e+00> : vector<1xf32>
      %reduce_sum3A_65 = vector.multi_reduction <add>, %reduce_sum3A, %reduce_sum3A_64 [1, 2] : vector<1x1x2048xf32> to vector<1xf32>
      %reduce_sum3A_66 = vector.shape_cast %reduce_sum3A_65 : vector<1xf32> to vector<1x1x1xf32>
      %reduce_sum3A_67 = vector.extract %reduce_sum3A_66[0, 0, 0] : f32 from vector<1x1x1xf32>
      %swap3A_68 = arith.constant 0 : index
      %swap3A_69 = arith.constant 0 : index
      %swap3A_70 = memref.load %arg2[%swap3A_68, %swap3A_69] : memref<1x1xf32, #tpu.memory_space<smem>>
      memref.store %reduce_sum3A_67, %arg2[%swap3A_68, %swap3A_69] : memref<1x1xf32, #tpu.memory_space<smem>>
    } else {
    }
    return
  }
  func.func @transform_0(%arg0: i32) -> (i32, i32) {
    %add3A = arith.constant 14 : i32
    %add3A_0 = arith.addi %add3A, %arg0 : i32
    %c0_i32 = arith.constant 0 : i32
    %c0_i32_1 = arith.constant 0 : i32
    return %c0_i32, %add3A_0 : i32, i32
  }
  func.func @transform_1(%arg0: i32) -> (i32, i32) {
    %c0_i32 = arith.constant 0 : i32
    %c0_i32_0 = arith.constant 0 : i32
    %c0_i32_1 = arith.constant 0 : i32
    return %c0_i32, %c0_i32_0 : i32, i32
  }
}

module attributes {stable_mosaic.version = 14 : i64} {
  func.func @_finish_body(%arg0: memref<32x16xf32, #tpu.memory_space<vmem>>, %arg1: memref<1x1xf32, #tpu.memory_space<smem>>, %arg2: memref<1x1xf32, #tpu.memory_space<smem>>) attributes {dimension_semantics = [], scalar_prefetch = 0 : i64, scratch_operands = 0 : i64, tpu.core_type = #tpu.core_type<tc>} {
    %get3A = arith.constant 0 : index
    %get3A_0 = arith.constant 0 : index
    %get3A_1 = vector.load %arg0[%get3A, %get3A_0] : memref<32x16xf32, #tpu.memory_space<vmem>>, vector<32x16xf32>
    %reduce_sum3A = vector.shape_cast %get3A_1 : vector<32x16xf32> to vector<1x32x16xf32>
    %reduce_sum3A_2 = arith.constant dense<0.000000e+00> : vector<1xf32>
    %reduce_sum3A_3 = vector.multi_reduction <add>, %reduce_sum3A, %reduce_sum3A_2 [1, 2] : vector<1x32x16xf32> to vector<1xf32>
    %reduce_sum3A_4 = vector.shape_cast %reduce_sum3A_3 : vector<1xf32> to vector<1x1x1xf32>
    %reduce_sum3A_5 = vector.extract %reduce_sum3A_4[0, 0, 0] : f32 from vector<1x1x1xf32>
    %get3A_6 = arith.constant 0 : index
    %get3A_7 = arith.constant 0 : index
    %get3A_8 = memref.load %arg1[%get3A_6, %get3A_7] : memref<1x1xf32, #tpu.memory_space<smem>>
    %add3A = arith.addf %reduce_sum3A_5, %get3A_8 : f32
    %neg3A = arith.constant 0.000000e+00 : f32
    %neg3A_9 = arith.subf %neg3A, %add3A : f32
    %swap3A = arith.constant 0 : index
    %swap3A_10 = arith.constant 0 : index
    %swap3A_11 = memref.load %arg2[%swap3A, %swap3A_10] : memref<1x1xf32, #tpu.memory_space<smem>>
    memref.store %neg3A_9, %arg2[%swap3A, %swap3A_10] : memref<1x1xf32, #tpu.memory_space<smem>>
    return
  }
}

</mosaic_0001>

<sc_bundles>
// kernel: kernel.5.cloned.1.call-start
scs
__scs_entry_jumppad:
0x0: {  	(pc) =	sbr.rel $0x88, $3  }
0x1: {  	(tag) =	ssettag $0x0;
	lr =	simm.s32 $0x1  }
0x2: {  	[smem:$0x3FA0] =	sst lr;
	_ =	strace $0xD0000000  }
0x3: {  	_ = 	snop  }
0x4: {  	_ = 	snop  }
0x5: {  	_ = 	snop  }
0x6: {  	_ = 	snop  }
0x7: {  	_ = 	snop  }
__scs_overlays_trampoline_lowered:
0x8: {  	[smem:$0x3FAF] =	sst s0  }
0x9: {  	[smem:$0x3FB0] =	sst s1  }
0xa: {  	[smem:$0x3FB1] =	sst s2  }
0xb: {  	[smem:$0x3FB2] =	sst s3  }
0xc: {  	[smem:$0x3FB3] =	sst s4  }
0xd: {  	[smem:$0x3FB4] =	sst s5  }
0xe: {  	[smem:$0x3FB5] =	sst s6  }
0xf: {  	[smem:$0x3FB6] =	sst s7  }
0x10: {  	[smem:$0x3FB7] =	sst s8  }
0x11: {  	[smem:$0x3FB8] =	sst s9;
	s0 =	simm.s32 @!p0 $0x0  }
0x12: {  	s1 =	sld [smem:$0x3F9E];
	s0 =	simm.s32 @p0 $0x1  }
0x13: {  	[smem:$0x3FB9] =	sst s0;
	s0 =	simm.s32 @!p1 $0x0  }
0x14: {  	s2 =	sld [smem:$0x3F9D];
	s0 =	simm.s32 @p1 $0x1  }
0x15: {  	[smem:$0x3FBA] =	sst s0;
	s0 =	simm.s32 @!p2 $0x0  }
0x16: {  	s3 =	sld [smem:$0x3FDB];
	s0 =	simm.s32 @p2 $0x1  }
0x17: {  	s4 =	simm.s32 $0x1BF5;
	[smem:$0x3FBC] =	sst s0  }
0x18: {  	s0 =	sld [smem:$0x3F9F];
	_ =	swait.ge [sflag:s4], $0x0  }
0x19: {  	s7 =	sld [smem:$0x3FA0]  }
0x1a: {  	s8 =	sadd.s32 $0xFFFFE003, lr  }
0x1b: {  	s9 =	sadd.s32 $0xFFFFFEF7, lr;
	s5 =	simm.s32 $0xFFFFFFFF;
	p2 =	slt.u32 s8, $0xFFFFF086  }
0x1c: {  	p1 =	slt.u32 s9, $0xF7A;
	s5 =	simm.s32 @!p2 $0x0  }
0x1d: {  	s5 =	simm.s32 @p1 $0x1;
	p0 =	seq.s32 s7, s2  }
0x1e: {  	s7 =	smul.u32 @!p0 $0xF7A, s2;
	p2 =	seq.s32 @!p0 s5, $0x0  }
0x1f: {  	s9 =	smul.u32 $0xF7A, s1;
	s8 =	simm.s32 @!p0 $0x1BF5;
	p2 =	por !p2, p0  }
0x20: {  	[sflag:s8] =	ssyncset.s32 @!p0 $0xFFFFF086;
	s6 =	sadd.s32 @!p0 s3, s7;
	s7 =	simm.s32 @!p0 $0x108  }
0x21: {  	s3 =	sadd.s32 s3, s9;
	s6 =	sadd.s32 @!p0 $0x88, s6;
	s7 =	simm.s32 @p2 $0x1082  }
0x22: {  	[simem:s7], [sflag:s8] =	dma.local @!p0 [hbm:s6], $0xF7A  }
0x23: {  	s9 =	sor.u32 $0xD0000000, s2;
	s6 =	simm.s32 $0x108;
	_ =	swait.ge @!p0 [sflag:s8], $0x0  }
0x24: {  	s3 =	sadd.s32 $0x88, s3;
	s6 =	simm.s32 @!p1 $0x1082;
	[sflag:s4] =	ssyncset.s32 $0xFFFFF086  }
0x25: {  	[simem:s6], [sflag:s4] =	dma.local [hbm:s3], $0xF7A  }
0x26: {  	[smem:$0x3FA0] =	sst s1;
	(tag) =	ssettag s2;
	_ =	strace s9  }
0x27: {  	s1 =	sld [smem:$0x3FB0]  }
0x28: {  	s2 =	sld [smem:$0x3FB1]  }
0x29: {  	s4 =	sld [smem:$0x3FB3]  }
0x2a: {  	p0 =	seq.s32 s5, $0x0;
	s5 =	sld [smem:$0x3FB4]  }
0x2b: {  	s6 =	sld [smem:$0x3FB5]  }
0x2c: {  	s7 =	sld [smem:$0x3FB6]  }
0x2d: {  	s3 =	simm.s32 $0x108;
	s8 =	sld [smem:$0x3FB7]  }
0x2e: {  	s3 =	simm.s32 @!p0 $0x1082;
	s9 =	sld [smem:$0x3FB8]  }
0x2f: {  	lr =	sadd.s32 s0, s3;
	s0 =	sld [smem:$0x3FAF]  }
0x30: {  	s3 =	sld [smem:$0x3FB2]  }
0x31: {  	[smem:$0x3FBB] =	sst s10  }
0x32: {  	s10 =	sld [smem:$0x3FB9];
	_ =	sdelay $0x3  }
0x33: {  	p0 =	seq.s32 s10, $0x1;
	s10 =	sld [smem:$0x3FBB];
	_ =	sdelay $0x3  }
0x34: {  	[smem:$0x3FBB] =	sst s10  }
0x35: {  	s10 =	sld [smem:$0x3FBA];
	_ =	sdelay $0x3  }
0x36: {  	p1 =	seq.s32 s10, $0x1;
	s10 =	sld [smem:$0x3FBB];
	_ =	sdelay $0x3  }
0x37: {  	[smem:$0x3FBB] =	sst s10  }
0x38: {  	s10 =	sld [smem:$0x3FBC]  }
0x39: {  	_ = 	snop;
	(pc) =	sbr.ind lr, $3  }
0x3a: {  	_ = 	snop  }
0x3b: {  	_ = 	snop  }
0x3c: {  	p2 =	seq.s32 s10, $0x1;
	s10 =	sld [smem:$0x3FBB]  }
0x3d: {  	_ =	shalt  }
0x3e: {  	_ =	shalt  }
0x3f: {  	_ =	shalt  }
0x40: {  	_ =	shalt  }
0x41: {  	_ =	shalt  }
0x42: {  	_ =	shalt  }
0x43: {  	_ =	shalt  }
0x44: {  	_ =	shalt  }
0x45: {  	_ =	shalt  }
0x46: {  	_ =	shalt  }
0x47: {  	_ =	shalt  }
0x48: {  	_ =	shalt  }
0x49: {  	_ =	shalt  }
0x4a: {  	_ =	shalt  }
0x4b: {  	_ =	shalt  }
0x4c: {  	_ =	shalt  }
0x4d: {  	_ =	shalt  }
0x4e: {  	_ =	shalt  }
0x4f: {  	_ =	shalt  }
0x50: {  	_ =	shalt  }
0x51: {  	_ =	shalt  }
0x52: {  	_ =	shalt  }
0x53: {  	_ =	shalt  }
0x54: {  	_ =	shalt  }
0x55: {  	_ =	shalt  }
0x56: {  	_ =	shalt  }
0x57: {  	_ =	shalt  }
0x58: {  	_ =	shalt  }
0x59: {  	_ =	shalt  }
0x5a: {  	_ =	shalt  }
0x5b: {  	_ =	shalt  }
0x5c: {  	_ =	shalt  }
0x5d: {  	_ =	shalt  }
0x5e: {  	_ =	shalt  }
0x5f: {  	_ =	shalt  }
0x60: {  	_ =	shalt  }
0x61: {  	_ =	shalt  }
0x62: {  	_ =	shalt  }
0x63: {  	_ =	shalt  }
0x64: {  	_ =	shalt  }
0x65: {  	_ =	shalt  }
0x66: {  	_ =	shalt  }
0x67: {  	_ =	shalt  }
0x68: {  	_ =	shalt  }
0x69: {  	_ =	shalt  }
0x6a: {  	_ =	shalt  }
0x6b: {  	_ =	shalt  }
0x6c: {  	_ =	shalt  }
0x6d: {  	_ =	shalt  }
0x6e: {  	_ =	shalt  }
0x6f: {  	_ =	shalt  }
0x70: {  	_ =	shalt  }
0x71: {  	_ =	shalt  }
0x72: {  	_ =	shalt  }
0x73: {  	_ =	shalt  }
0x74: {  	_ =	shalt  }
0x75: {  	_ =	shalt  }
0x76: {  	_ =	shalt  }
0x77: {  	_ =	shalt  }
0x78: {  	_ =	shalt  }
0x79: {  	_ =	shalt  }
0x7a: {  	_ =	shalt  }
0x7b: {  	_ =	shalt  }
0x7c: {  	_ =	shalt  }
0x7d: {  	_ =	shalt  }
0x7e: {  	_ =	shalt  }
0x7f: {  	_ =	shalt  }
0x80: {  	_ =	shalt  }
0x81: {  	_ =	shalt  }
0x82: {  	_ =	shalt  }
0x83: {  	_ =	shalt  }
0x84: {  	_ =	shalt  }
0x85: {  	_ =	shalt  }
0x86: {  	_ =	shalt  }
0x87: {  	_ =	shalt  }
.Lfunc_end0:
.L_simem_size_0:
called_computation_lowered:
.L_overlay_start_0:
0x88: {  	s2 =	sld [smem:$0x3FD9]  }
0x89: {  	s3 =	sld [smem:$0x3FFE];
	_ =	sdelay $0x1  }
0x8a: {  	s1 =	srdreg.scid  }
0x8b: {  	s0 =	sand.u32 $0x1, s1  }
0x8c: {  	s17 =	sshll.u32 s0, $0xA;
	s2 =	sadd.s32 s3, s2  }
0x8d: {  	s2 =	sadd.s32 s2, s17  }
0x8e: {  	[smem:$0x3FC7] =	sst s2  }
0x8f: {  	_ = 	snop  }
0x90: {  	s2 =	sld [smem:$0x3FC9]  }
0x91: {  	s18 =	sld [smem:$0x3FD0];
	(tm) =	ssettm $0x1  }
0x92: {  	s4 =	sld [smem:$0x3FFB];
	_ =	sdelay $0x3  }
0x93: {  	_ =	strace s4  }
0x94: {  	s4 =	sld [smem:$0x3FFC];
	_ =	sdelay $0x3  }
0x95: {  	_ =	strace s4  }
0x96: {  	s4 =	sld [smem:$0x3FFD];
	_ =	sdelay $0x3  }
0x97: {  	_ =	strace s4  }
0x98: {  	_ =	strace $0x8FFFFFFF  }
0x99: {  	s19 =	sld [smem:$0x3FDB];
	_ =	sdelay $0x1  }
0x9a: {  	s5 =	simm.s32 $_scs_section_size  }
0x9b: {  	s6 =	simm.s32 $_size__tile_overlayer_lowered;
	s7 =	simm.s32 $_tile_overlayer_lowered  }
0x9c: {  	s22 =	simm.s32 $0x1BFF;
	s21 =	sshll.u32 s7, $0x1;
	s4 =	sadd.s32 s5, s19  }
0x9d: {  	s8 =	simm.s32 $0x0;
	s20 =	sshll.u32 s6, $0x1;
	s6 =	sadd.s32 s21, s4  }
0x9e: {  	[timem:s8], [sflag:s22] =	dma.local [hbm:s6], s20  }
0x9f: {  	_ =	swait.ge [sflag:s22], s20  }
0xa0: {  	s5 =	ssub.s32 $0x0, s20;
	[sflag:s22] =	ssyncset.done $0x0  }
0xa1: {  	[sflag:s22] =	ssyncadd.s32 s5;
	_ =	sdelay $0x1  }
0xa2: {  	s23 =	simm.s32 $0x1B8B  }
0xa3: {  	_ =	swait.ge [sflag:s23], $0x1  }
0xa4: {  	[sflag:s23] =	ssyncset.done $0x0  }
0xa5: {  	s25 =	simm.s32 $0x1B8E;
	s24 =	sld [smem:$0x3FFE];
	[sflag:s23] =	ssyncadd.s32 $0xFFFFFFFF  }
0xa6: {  	s26 =	simm.s32 $execute0_lowered;
	[smem:$0x3FD2] =	sst s25  }
0xa7: {  	s6 =	sshll.u32 s26, $0x1;
	_ =	strace $0x80000046;
	[dreg:$0x1] =	wrdreg $0xFFFFFFFF  }
0xa8: {  	s28 =	simm.s32 $_size_execute0_lowered;
	s4 =	sadd.s32 s4, s6;
	[dreg:$0x0] =	wrdreg $0x0  }
0xa9: {  	s6 =	sshll.u32 s28, $0x1;
	[dreg:$0x2] =	wrdreg s4  }
0xaa: {  	[dreg:$0x3] =	wrdreg s6  }
0xab: {  	[dreg:$0x4] =	wrdreg $0xC0  }
0xac: {  	_ =	task [dreg:s8], $0x5FFFF  }
0xad: {  	[dreg:$0x1] =	wrdreg $0xFFFFFFFF  }
0xae: {  	[dreg:$0x0] =	wrdreg $0x60  }
0xaf: {  	[dreg:$0x2] =	wrdreg s2  }
0xb0: {  	[dreg:$0x3] =	wrdreg s18  }
0xb1: {  	[dreg:$0x4] =	wrdreg s24  }
0xb2: {  	[dreg:$0x5] =	wrdreg $0x9  }
0xb3: {  	_ =	task.clear_ibuf [dreg:s8], $0x6FFFF;
	_ =	strace $0x90000046  }
0xb4: {  	s29 =	simm.s32 $0x9;
	_ =	strace $0x80000048  }
0xb5: {  	_ =	swait.ge [sflag:s29], $0x1  }
0xb6: {  	[sflag:s29] =	ssyncadd.s32 $0xFFFFFFFF  }
0xb7: {  	_ =	strace $0x90000048  }
0xb8: {  	_ =	sfence  }
0xb9: {  	s30 =	sld [smem:$0x0];
	_ =	sdelay $0x2  }
0xba: {  	s31 =	sshll.u32 s1, $0xD;
	s1 =	sshrl.u32 s1, $0x2  }
0xbb: {  	s3 =	sand.u32 $0x4000, s31;
	s1 =	sadd.s32 s1, s30  }
0xbc: {  	s0 =	sor.u32 s3, s0;
	s1 =	sshll.u32 s1, $0x11  }
0xbd: {  	s0 =	sor.u32 s1, s0  }
0xbe: {  	s0 =	sadd.s32 $0x8F2B, s0  }
0xbf: {  	[sflag:s0] =	ssyncadd.remote.s32 $0x1  }
0xc0: {  	_ =	sfence.sel $0xFFFF  }
0xc1: {  	[dreg:$0x0] =	wrdreg $0xFFFFFFFF;
	(pc) =	sbr.abs _section_cstart, $3  }
0xc2: {  	[dreg:$0x1] =	wrdreg $0xFFFFFFFF  }
0xc3: {  	_ =	task.clear_ibuf [dreg:s8], $0x2FFFF;
	_ =	strace $0x9FFFFFFF  }
0xc4: {  	(tm) =	ssettm $0x7FFFFFFF  }
0xc5: {  	_ =	shalt  }
tec
execute0_lowered:
.L_overlay_start_1:
0x0: {  	(tag) =	ssettag $0x1  }
0x1: {  	s0 =	rddreg [dreg:$0x0];
	s1 =	srdreg.scid  }
0x2: {  	s3 =	stileid.u32;
	s2 =	rddreg [dreg:$0x2];
	s7 =	simm.s32 $0x2  }
0x3: {  	s26 =	simm.s32 $0x4880;
	s29 =	simm.s32 $0x5080;
	s30 =	simm.s32 $0x5880  }
0x4: {  	s31 =	simm.s32 $0x6080;
	s1 =	sand.u32 $0x1, s1;
	s4 =	sshll.u32 s3, $0x1  }
0x5: {  	s8 =	simm.s32 $0x0;
	s3 =	simm.s32 $0x0;
	s4 =	sor.u32 s1, s4  }
0x6: {  	[smem:$0x7FF] =	sst s3;
	s1 =	ssub.s32 $0x2, s1;
	s5 =	smul.u32 $0x3800, s4  }
0x7: {  	_ =	strace $0x80000047;
	s4 =	sshll.u32 s4, $0x4;
	s6 =	sshrl.u32 s1, $0x1  }
0x8: {  	s2 =	sadd.s32 s4, s2;
	s1 =	ssub.s32 s1, s6;
	s4 =	sadd.s32 s0, s5  }
0x9: {  	s5 =	sadd.s32 $0x600, s2;
	s6 =	smax.u32 s1, $0x1;
	s1 =	simm.s32 $0x6880  }
0xa: {  	s0 =	simm.s32 $0x1;
	s2 =	simm.s32 $0x7080;
	s9 =	sadd.s32 $0x400, s4  }
0xb: {  	v0 =	vlaneseq.u32;
	s11 =	sadd.s32 $0x800, s4;
	s13 =	sadd.s32 $0xC00, s4;
	s15 =	sadd.s32 $0x1000, s4  }
0xc: {  	v1 =	vshrl.u32 v0, $0x1;
	s17 =	sadd.s32 $0x1400, s4;
	s19 =	sadd.s32 $0x1800, s4;
	s21 =	sadd.s32 $0x1C00, s4  }
0xd: {  	vm0 =	vmmov $0xffff;
	v0 =	vand.u32 $0x1, v0;
	v1 =	vmul.u32 $0x8, v1;
	s23 =	sadd.s32 $0x2000, s4;
	s25 =	sadd.s32 $0x2400, s4;
	s28 =	sadd.s32 $0x2800, s4  }
.LBB2_1:
0xe: {  	s10 =	rddreg [dreg:$0x1]  }
0xf: {  	[tilespmem:s3], [sflag:$0x2] =	stream.linear.gather [hbm4b:s10+s3], $0x80, $0x38;
	[tilespmem:$0x7100] =	vst v63  }
0x10: {  	_ =	swait.ge [sflag:s7], $0x80  }
0x11: {  	[sflag:s7] =	ssyncset.done $0x0  }
0x12: {  	[sflag:s7] =	ssyncadd.s32 $0xFFFFFF80  }
0x13: {  	v2 =	vld.msk [tilespmem:$0x0], $0x3;
	_ =	sdelay $0x4  }
0x14: {  	v3 =	vshrl.u32 v2, $0x3  }
0x15: {  	v3 =	vmul.u32 $0xF428, v3  }
0x16: {  	v2 =	vand.u32 $0x7, v2  }
0x17: {  	v2 =	vor.u32 v2, v3  }
0x18: {  	v2 =	vperm.xlane v2, v0;
	_ =	sdelay $0x1  }
0x19: {  	v2 =	vadd.s32 v1, v2;
	_ =	sdelay $0x3  }
0x1a: {  	s12 =	simm.s32 $0x80  }
0x1b: {  	[tilespmem:s12], [sflag:$0x1] =	stream.indirect_vreg.gather [hbm4b:s4+s3], $0x80, v2, vm0, $0xb8;
	[tilespmem:$0x7100] =	vst v63  }
0x1c: {  	s14 =	simm.s32 $0x880  }
0x1d: {  	[tilespmem:s14], [sflag:$0x1] =	stream.indirect_vreg.gather [hbm4b:s9+s3], $0x80, v2, vm0, $0xb8;
	[tilespmem:$0x7100] =	vst v63  }
0x1e: {  	s16 =	simm.s32 $0x1080  }
0x1f: {  	[tilespmem:s16], [sflag:$0x1] =	stream.indirect_vreg.gather [hbm4b:s11+s3], $0x80, v2, vm0, $0xb8;
	[tilespmem:$0x7100] =	vst v63  }
0x20: {  	s18 =	simm.s32 $0x1880  }
0x21: {  	[tilespmem:s18], [sflag:$0x1] =	stream.indirect_vreg.gather [hbm4b:s13+s3], $0x80, v2, vm0, $0xb8;
	[tilespmem:$0x7100] =	vst v63  }
0x22: {  	s20 =	simm.s32 $0x2080  }
0x23: {  	[tilespmem:s20], [sflag:$0x1] =	stream.indirect_vreg.gather [hbm4b:s15+s3], $0x80, v2, vm0, $0xb8;
	[tilespmem:$0x7100] =	vst v63  }
0x24: {  	s22 =	simm.s32 $0x2880  }
0x25: {  	[tilespmem:s22], [sflag:$0x1] =	stream.indirect_vreg.gather [hbm4b:s17+s3], $0x80, v2, vm0, $0xb8;
	[tilespmem:$0x7100] =	vst v63  }
0x26: {  	s24 =	simm.s32 $0x3080  }
0x27: {  	[tilespmem:s24], [sflag:$0x1] =	stream.indirect_vreg.gather [hbm4b:s19+s3], $0x80, v2, vm0, $0xb8;
	[tilespmem:$0x7100] =	vst v63  }
0x28: {  	s12 =	simm.s32 $0x3880  }
0x29: {  	[tilespmem:s12], [sflag:$0x1] =	stream.indirect_vreg.gather [hbm4b:s21+s3], $0x80, v2, vm0, $0xb8;
	[tilespmem:$0x7100] =	vst v63  }
0x2a: {  	s14 =	simm.s32 $0x4080  }
0x2b: {  	[tilespmem:s14], [sflag:$0x1] =	stream.indirect_vreg.gather [hbm4b:s23+s3], $0x80, v2, vm0, $0xb8;
	[tilespmem:$0x7100] =	vst v63  }
0x2c: {  	_ = 	snop  }
0x2d: {  	[tilespmem:s26], [sflag:$0x1] =	stream.indirect_vreg.gather [hbm4b:s25+s3], $0x80, v2, vm0, $0xb8;
	[tilespmem:$0x7100] =	vst v63  }
0x2e: {  	_ = 	snop  }
0x2f: {  	[tilespmem:s29], [sflag:$0x1] =	stream.indirect_vreg.gather [hbm4b:s28+s3], $0x80, v2, vm0, $0xb8;
	[tilespmem:$0x7100] =	vst v63  }
0x30: {  	s16 =	sadd.s32 $0x2C00, s4  }
0x31: {  	[tilespmem:s30], [sflag:$0x1] =	stream.indirect_vreg.gather [hbm4b:s16+s3], $0x80, v2, vm0, $0xb8;
	[tilespmem:$0x7100] =	vst v63  }
0x32: {  	s18 =	sadd.s32 $0x3000, s4  }
0x33: {  	[tilespmem:s31], [sflag:$0x1] =	stream.indirect_vreg.gather [hbm4b:s18+s3], $0x80, v2, vm0, $0xb8;
	[tilespmem:$0x7100] =	vst v63  }
0x34: {  	p0 =	por $0x0, $0x0;
	s20 =	sadd.s32 $0x3400, s4  }
0x35: {  	[tilespmem:s1], [sflag:$0x1] =	stream.indirect_vreg.gather [hbm4b:s20+s3], $0x80, v2, vm0, $0xb8;
	[tilespmem:$0x7100] =	vst v63  }
0x36: {  	s22 =	sand.u32 $0x40, s3;
	s12 =	sand.u32 $0x7F00, s3;
	_ =	swait.ge [sflag:s0], $0x7000  }
0x37: {  	s10 =	sor.u32 s22, s12;
	s12 =	simm.s32 $0x1;
	[sflag:s0] =	ssyncset.done $0x0  }
0x38: {  	s12 =	simm.s32 @!p0 $0x0;
	[sflag:s0] =	ssyncadd.s32 $0xFFFF9000  }
0x39: {  	s12 =	sshll.u32 s12, $0x6;
	v2 =	vld [tilespmem:s10+$0x80]  }
0x3a: {  	s12 =	sadd.s32 $0x0, s12;
	v3 =	vld [tilespmem:s10+$0x90]  }
0x3b: {  	s14 =	sor.u32 $0x80, s12;
	s16 =	simm.s32 $0x80;
	s18 =	simm.s32 $0x40;
	v5 =	vld [tilespmem:s10+$0xA0]  }
0x3c: {  	p0 =	por !p0, !p0;
	s16 =	sand.u32 $0x7F00, s16;
	s18 =	sand.u32 $0x40, s18;
	v7 =	vld [tilespmem:s14+$0x80]  }
0x3d: {  	s24 =	sadd.s32 $0x10, s12;
	v8 =	vld [tilespmem:s10+$0xB0];
	s10 =	sor.u32 s18, s16;
	s16 =	simm.s32 $0x1  }
0x3e: {  	s14 =	sor.u32 $0x80, s24;
	s18 =	sadd.s32 $0x20, s12;
	s16 =	simm.s32 @!p0 $0x0;
	v2 =	vtrunc.f32 v2  }
0x3f: {  	s12 =	sadd.s32 $0x30, s12;
	v9 =	vld [tilespmem:s14+$0x80];
	s14 =	sor.u32 $0x80, s18;
	s20 =	sshll.u32 s16, $0x6;
	v4 =	vcvt.f32.s32 v2  }
0x40: {  	s22 =	sor.u32 $0x80, s12;
	v6 =	vld [tilespmem:s14+$0x80];
	s12 =	sadd.s32 $0x80, s20;
	v3 =	vtrunc.f32 v3  }
0x41: {  	s24 =	sor.u32 $0x80, s12;
	v5 =	vtrunc.f32 v5;
	v2 =	vld [tilespmem:s10+$0x80];
	v3 =	vcvt.f32.s32 v3;
	vm1 =	veq.s32 v4, $0x0  }
0x42: {  	v10 =	vimm.f32 $0.0e+00;
	v11 =	vcvt.f32.s32 v5;
	v5 =	vld [tilespmem:s24+$0x80];
	v7 =	vnsel vm1, $0x0, v7  }
0x43: {  	v4 =	vld [tilespmem:s10+$0x90];
	vm1 =	veq.s32 v3, $0x0;
	v10 =	vadd.f32 v7, v10  }
0x44: {  	s18 =	simm.s32 $0x80;
	v12 =	vtrunc.f32 v8;
	v7 =	vld [tilespmem:s22+$0x80];
	v9 =	vnsel vm1, $0x0, v9  }
0x45: {  	s14 =	simm.s32 $0x4;
	s16 =	simm.s32 $0x100;
	s20 =	sadd.s32 $0x10, s12;
	v3 =	vld [tilespmem:s10+$0xA0];
	vm1 =	veq.s32 v11, $0x0;
	v8 =	vadd.f32 v9, v10;
	v9 =	vcvt.f32.s32 v12  }
.LBB2_2:
0x46: {  	s22 =	sand.u32 $0x40, s18  }
0x47: {  	s24 =	sand.u32 $0x7F00, s16;
	v2 =	vtrunc.f32 v2;
	s20 =	sor.u32 $0x80, s20;
	v10 =	vld [tilespmem:s10+$0xB0];
	v6 =	vnsel vm1, $0x0, v6;
	s14 =	sadd.s32 $0x4, s14  }
0x48: {  	p0 =	por !p0, !p0;
	s10 =	sor.u32 s22, s24;
	v11 =	vcvt.f32.s32 v2;
	v12 =	vld [tilespmem:s20+$0x80];
	s20 =	sadd.s32 $0x20, s12;
	v8 =	vadd.f32 v6, v8;
	vm1 =	veq.s32 v9, $0x0  }
0x49: {  	p1 =	slt.u32 s14, $0x37C;
	v4 =	vtrunc.f32 v4;
	s22 =	simm.s32 $0x1;
	v2 =	vld [tilespmem:s10+$0x80];
	s20 =	sor.u32 $0x80, s20;
	v7 =	vnsel vm1, $0x0, v7  }
.Ltmp0:
0x4a: {  	s12 =	sadd.s32 $0x30, s12;
	s22 =	simm.s32 @!p0 $0x0;
	v9 =	vcvt.f32.s32 v4;
	vm1 =	veq.s32 v11, $0x0;
	v6 =	vld [tilespmem:s20+$0x80];
	v7 =	vadd.f32 v7, v8;
	(pc) =	sbr.rel @p1 .LBB2_2-.Ltmp0, $4  }
0x4b: {  	s20 =	sshll.u32 s22, $0x6;
	v3 =	vtrunc.f32 v3;
	s22 =	sor.u32 $0x80, s12;
	v4 =	vld [tilespmem:s10+$0x90];
	v5 =	vnsel vm1, $0x0, v5  }
0x4c: {  	s12 =	sadd.s32 s20, s16;
	vm1 =	veq.s32 v9, $0x0;
	v9 =	vcvt.f32.s32 v3;
	v8 =	vadd.f32 v5, v7;
	v7 =	vld [tilespmem:s22+$0x80]  }
0x4d: {  	s20 =	sor.u32 $0x80, s12;
	v10 =	vtrunc.f32 v10;
	v3 =	vld [tilespmem:s10+$0xA0];
	v11 =	vnsel vm1, $0x0, v12  }
0x4e: {  	s18 =	sadd.s32 $0x40, s18;
	s16 =	sadd.s32 $0x80, s16;
	vm1 =	veq.s32 v9, $0x0;
	v9 =	vcvt.f32.s32 v10;
	v5 =	vld [tilespmem:s20+$0x80];
	s20 =	sadd.s32 $0x10, s12;
	v8 =	vadd.f32 v11, v8  }
0x4f: {  	v2 =	vtrunc.f32 v2;
	s14 =	sor.u32 $0x80, s20;
	v10 =	vld [tilespmem:s10+$0xB0];
	v6 =	vnsel vm1, $0x0, v6  }
0x50: {  	s22 =	sadd.s32 $0x20, s12;
	v2 =	vcvt.f32.s32 v2;
	v11 =	vld [tilespmem:s14+$0x80];
	v6 =	vadd.f32 v6, v8;
	vm1 =	veq.s32 v9, $0x0  }
0x51: {  	v4 =	vtrunc.f32 v4;
	s10 =	sor.u32 $0x80, s22;
	v7 =	vnsel vm1, $0x0, v7  }
0x52: {  	s24 =	sadd.s32 $0x30, s12;
	v61 =	vld [tilespmem:s10+$0x80];
	vm1 =	veq.s32 v2, $0x0;
	v2 =	vcvt.f32.s32 v4;
	v6 =	vadd.f32 v7, v6  }
0x53: {  	s10 =	sor.u32 $0x80, s24;
	v3 =	vtrunc.f32 v3;
	v5 =	vnsel vm1, $0x0, v5  }
0x54: {  	v5 =	vadd.f32 v5, v6;
	vm1 =	veq.s32 v2, $0x0;
	v2 =	vcvt.f32.s32 v3;
	v3 =	vld [tilespmem:s10+$0x80]  }
0x55: {  	v63 =	vtrunc.f32 v10;
	v62 =	vnsel vm1, $0x0, v11  }
0x56: {  	v5 =	vadd.f32 v62, v5;
	vm1 =	veq.s32 v2, $0x0;
	v2 =	vcvt.f32.s32 v63  }
0x57: {  	v4 =	vnsel vm1, $0x0, v61  }
0x58: {  	v4 =	vadd.f32 v4, v5;
	vm1 =	veq.s32 v2, $0x0  }
0x59: {  	v2 =	vnsel vm1, $0x0, v3  }
0x5a: {  	s8 =	sadd.s32 $0x1, s8;
	v2 =	vadd.f32 v2, v4  }
0x5b: {  	p0 =	sne.s32 s8, s6  }
.Ltmp1:
0x5c: {  	[tilespmem:$0x7080] =	vst v2;
	(pc) =	sbr.rel @p0 .LBB2_1-.Ltmp1, $4  }
0x5d: {  	[hbm4b:s5+s3] =	stream.linear.scatter [tilespmem:s2], [sflag:$0x2], $0x80, $0x38;
	[tilespmem:$0x7100] =	vst v63  }
0x5e: {  	_ =	swait.ge [sflag:s7], $0x80  }
0x5f: {  	[sflag:s7] =	ssyncset.done $0x0  }
0x60: {  	[sflag:s7] =	ssyncadd.s32 $0xFFFFFF80  }
0x61: {  	_ =	sfence.sel $0x180000  }
0x62: {  	[bflag:$0x0] =	sbarrier.arrive $0xFFFF  }
0x63: {  	_ =	strace $0x90000047  }
0x64: {  	s0 =	stileid.u32;
	[bflag:$0x2] =	sbarrier.arrive $0xFFFF  }
0x65: {  	p0 =	sne.s32 s0, $0x0;
	s0 =	rddreg [dreg:$0x3]  }
0x66: {  	s0 =	sadd.s32 @!p0 $0x100000, s0  }
0x67: {  	[sflag:s0] =	ssyncadd.tile.s32 @!p0 $0x1;
	_ =	shalt  }
.Lfunc_end2:
_tile_overlayer_lowered:
.L_overlay_start_2:
0x68: {  	(tag) =	ssettag $0x2  }
0x69: {  	s0 =	rddreg [dreg:$0x0];
	s2 =	stileid.u32  }
0x6a: {  	s1 =	rddreg [dreg:$0x1];
	p0 =	sne.s32 s2, $0x0  }
0x6b: {  	s3 =	rddreg [dreg:$0x2];
	[bflag:$0x3] =	sbarrier.arrive $0xFFFF;
	s2 =	simm.s32 @!p0 $0x1C02  }
0x6c: {  	[timem:s3], [sflag:s2] =	dma.local @!p0 [hbm:s0], s1  }
0x6d: {  	s0 =	simm.s32 @!p0 $0x2  }
0x6e: {  	_ =	swait.ge @!p0 [sflag:s0], s1  }
0x6f: {  	s1 =	ssub.s32 @!p0 $0x0, s1;
	[sflag:s0] =	ssyncset.done @!p0 $0x0  }
0x70: {  	[sflag:s0] =	ssyncadd.s32 @!p0 s1  }
0x71: {  	[bflag:$0x3] =	sbarrier.arrive $0xFFFF  }
0x72: {  	_ =	shalt  }

</sc_bundles>
